<compile_context>
chip_gen: v7x
topology: tpu7x:2x2x1
jax: 0.10.2.dev20260603
libtpu: 0.0.44.dev20260713+nightly
codegen_flags: <defaults>
</compile_context>

<pallas_src>
import functools

import jax
import jax.numpy as jnp
import numpy as np
from jax import lax
from jax.experimental import pallas as pl
from jax.experimental.pallas import tpu as pltpu
from jax.experimental.pallas import tpu_sc as plsc

_ROWS, _COLS = 4096, 768
_SIZE = 3



def _draw_constants():
    key = jax.random.key(42)
    k1, k2 = jax.random.split(key)
    r = int(jax.random.randint(k1, (), 0, _ROWS - _SIZE))
    p = [int(v) for v in np.asarray(jax.random.permutation(k2, _SIZE))]
    return r, p


try:
    with jax.default_device(jax.local_devices(backend="cpu")[0]):
        _R_IDX, _PERM = _draw_constants()
except Exception:
    _R_IDX, _PERM = _draw_constants()

_NC, _NS = 2, 16
_NW = _NC * _NS
_RPW = _ROWS // _NW

_OWNERS: dict[int, list[int]] = {}
for _j in range(_SIZE):
    _OWNERS.setdefault((_R_IDX + _j) // _RPW, []).append(_j)

_NCHUNK = 4
_CH = _RPW // _NCHUNK


def _sc_permute(x_hbm, o_hbm, slab, *sems):
    in_sems, out_sems = sems[:_NCHUNK], sems[_NCHUNK:]
    wid = lax.axis_index("s") * _NC + lax.axis_index("c")
    base = wid * _RPW
    loads = [
        pltpu.make_async_copy(
            x_hbm.at[pl.ds(base + k * _CH, _CH)],
            slab.at[pl.ds(k * _CH, _CH)], in_sems[k])
        for k in range(_NCHUNK)
    ]
    stores = [
        pltpu.make_async_copy(
            slab.at[pl.ds(k * _CH, _CH)],
            o_hbm.at[pl.ds(base + k * _CH, _CH)], out_sems[k])
        for k in range(_NCHUNK)
    ]
    for c in loads:
        c.start()
    for k in range(_NCHUNK):
        loads[k].wait()
        for _owner, _js in _OWNERS.items():
            _rel = [j for j in _js
                    if (_R_IDX + j) // _CH - _owner * _NCHUNK == k]
            if not _rel:
                continue

            @pl.when(wid == _owner)
            def _(_owner=_owner, _rel=_rel):
                for j in _rel:
                    pltpu.sync_copy(
                        x_hbm.at[pl.ds(_R_IDX + _PERM[j], 1)],
                        slab.at[pl.ds(_R_IDX - _owner * _RPW + j, 1)])
        stores[k].start()
    for c in stores:
        c.wait()


@functools.cache
def _build():
    mesh = plsc.VectorSubcoreMesh(
        core_axis_name="c", subcore_axis_name="s",
        num_cores=_NC, num_subcores=_NS)
    return pl.kernel(
        _sc_permute,
        out_type=jax.ShapeDtypeStruct((_ROWS, _COLS), jnp.float32),
        mesh=mesh,
        scratch_types=[pltpu.VMEM((_RPW, _COLS), jnp.float32)]
        + [pltpu.SemaphoreType.DMA] * (2 * _NCHUNK),
    )


def kernel(x, y):
    return (_build()(x), y)

# --- scband reference (transcript-rebuilt; emitter-appended) ---
"""Pipeline reference for scband-permute-sequence-60395830117144 (READ-ONLY COPY).

The authoritative reference and input builder live on the scoring server;
editing this copy changes nothing except your own understanding.
"""

import jax, jax.numpy as jnp
import numpy as np

SIZE = 3

def setup_inputs(seed: int = 0) -> dict:
    key = jax.random.key(seed)
    kx, ky = jax.random.split(key)
    x = jax.random.normal(kx, (4096, 768), dtype=jnp.float32)
    y = jax.random.randint(ky, (1,), 0, 10, dtype=jnp.int64) if jax.config.jax_enable_x64 else jax.random.randint(ky, (1,), 0, 10, dtype=jnp.int32)
    return {"x": x, "y": y}

def reference(x, y):
    # Faithful translation of PermuteSequence.forward: pick a random start index,
    # permute a window of `SIZE` consecutive rows, write it back in place.
    # Randomness is made deterministic with a fixed key (torch uses global RNG).
    key = jax.random.key(42)
    k1, k2 = jax.random.split(key)
    r_idx = jax.random.randint(k1, (), 0, x.shape[0] - SIZE)
    perm = jax.random.permutation(k2, SIZE)
    window = jax.lax.dynamic_slice(x, (r_idx, 0), (SIZE, x.shape[1]))
    window = jnp.take(window, perm, axis=0)
    x_out = jax.lax.dynamic_update_slice(x, window, (r_idx, 0))
    return (x_out, y)

if __name__ == "__main__":
    import jax
    _d = setup_inputs()
    print(jax.jit(kernel)(*tuple(_d.values())))

</pallas_src>

<mosaic_0001>
#map = affine_map<(d0, d1) -> (0, 0)>
module attributes {stable_mosaic.version = 14 : i64} {
  func.func @_sc_permute(%arg0: i32, %arg1: i32, %arg2: memref<4096x768xf32, #tpu.memory_space<hbm>>, %arg3: memref<4096x768xf32, #tpu.memory_space<hbm>>, %arg4: memref<128x768xf32, #tpu.memory_space<vmem>>, %arg5: memref<!tpu.dma_semaphore, #tpu.memory_space<semaphore_mem>>, %arg6: memref<!tpu.dma_semaphore, #tpu.memory_space<semaphore_mem>>, %arg7: memref<!tpu.dma_semaphore, #tpu.memory_space<semaphore_mem>>, %arg8: memref<!tpu.dma_semaphore, #tpu.memory_space<semaphore_mem>>, %arg9: memref<!tpu.dma_semaphore, #tpu.memory_space<semaphore_mem>>, %arg10: memref<!tpu.dma_semaphore, #tpu.memory_space<semaphore_mem>>, %arg11: memref<!tpu.dma_semaphore, #tpu.memory_space<semaphore_mem>>, %arg12: memref<!tpu.dma_semaphore, #tpu.memory_space<semaphore_mem>>) attributes {dimension_semantics = [#tpu.dimension_semantics<core_parallel>, #tpu.dimension_semantics<subcore_parallel>], iteration_bounds = array<i64: 2, 16>, scalar_prefetch = 0 : i64, scratch_operands = 9 : i64, tpu.core_type = #tpu.core_type<sc_vector_subcore>, window_params = [{transform_indices = #map}, {transform_indices = #map}]} {
    %mul3A = arith.constant 2 : i32
    %mul3A_0 = arith.muli %arg1, %mul3A : i32
    %add3A = arith.addi %mul3A_0, %arg0 : i32
    %mul3A_1 = arith.constant 128 : i32
    %mul3A_2 = arith.muli %add3A, %mul3A_1 : i32
    %add3A_3 = arith.constant 0 : i32
    %add3A_4 = arith.addi %mul3A_2, %add3A_3 : i32
    %add3A_5 = arith.constant 32 : i32
    %add3A_6 = arith.addi %mul3A_2, %add3A_5 : i32
    %add3A_7 = arith.constant 64 : i32
    %add3A_8 = arith.addi %mul3A_2, %add3A_7 : i32
    %add3A_9 = arith.constant 96 : i32
    %add3A_10 = arith.addi %mul3A_2, %add3A_9 : i32
    %add3A_11 = arith.constant 0 : i32
    %add3A_12 = arith.addi %mul3A_2, %add3A_11 : i32
    %add3A_13 = arith.constant 32 : i32
    %add3A_14 = arith.addi %mul3A_2, %add3A_13 : i32
    %add3A_15 = arith.constant 64 : i32
    %add3A_16 = arith.addi %mul3A_2, %add3A_15 : i32
    %add3A_17 = arith.constant 96 : i32
    %add3A_18 = arith.addi %mul3A_2, %add3A_17 : i32
    %dma_start3A = arith.constant 0 : i32
    %dma_start3A_19 = arith.constant 0 : i32
    %dma_start3A_20 = tpu.memref_slice %arg4[%dma_start3A, %dma_start3A_19] : memref<128x768xf32, #tpu.memory_space<vmem>> -> memref<32x768xf32, #tpu.memory_space<vmem>>
    %dma_start3A_21 = arith.constant 0 : i32
    %dma_start3A_22 = tpu.memref_slice %arg2[%add3A_4, %dma_start3A_21] : memref<4096x768xf32, #tpu.memory_space<hbm>> -> memref<32x768xf32, #tpu.memory_space<hbm>>
    %dma_start3A_23 = arith.constant 0 : i32
    %dma_start3A_24 = arith.constant 0 : i32
    %dma_start3A_25 = tpu.memref_slice %arg4[%dma_start3A_23, %dma_start3A_24] : memref<128x768xf32, #tpu.memory_space<vmem>> -> memref<32x768xf32, #tpu.memory_space<vmem>>
    %dma_start3A_26 = arith.constant 0 : i32
    %dma_start3A_27 = tpu.memref_slice %arg2[%add3A_4, %dma_start3A_26] : memref<4096x768xf32, #tpu.memory_space<hbm>> -> memref<32x768xf32, #tpu.memory_space<hbm>>
    tpu.enqueue_dma source(%dma_start3A_27 : memref<32x768xf32, #tpu.memory_space<hbm>>) target(%dma_start3A_25 : memref<32x768xf32, #tpu.memory_space<vmem>>) target_semaphore(%arg5 : memref<!tpu.dma_semaphore, #tpu.memory_space<semaphore_mem>>)
    %dma_start3A_28 = arith.constant 32 : i32
    %dma_start3A_29 = arith.constant 0 : i32
    %dma_start3A_30 = tpu.memref_slice %arg4[%dma_start3A_28, %dma_start3A_29] : memref<128x768xf32, #tpu.memory_space<vmem>> -> memref<32x768xf32, #tpu.memory_space<vmem>>
    %dma_start3A_31 = arith.constant 0 : i32
    %dma_start3A_32 = tpu.memref_slice %arg2[%add3A_6, %dma_start3A_31] : memref<4096x768xf32, #tpu.memory_space<hbm>> -> memref<32x768xf32, #tpu.memory_space<hbm>>
    %dma_start3A_33 = arith.constant 32 : i32
    %dma_start3A_34 = arith.constant 0 : i32
    %dma_start3A_35 = tpu.memref_slice %arg4[%dma_start3A_33, %dma_start3A_34] : memref<128x768xf32, #tpu.memory_space<vmem>> -> memref<32x768xf32, #tpu.memory_space<vmem>>
    %dma_start3A_36 = arith.constant 0 : i32
    %dma_start3A_37 = tpu.memref_slice %arg2[%add3A_6, %dma_start3A_36] : memref<4096x768xf32, #tpu.memory_space<hbm>> -> memref<32x768xf32, #tpu.memory_space<hbm>>
    tpu.enqueue_dma source(%dma_start3A_37 : memref<32x768xf32, #tpu.memory_space<hbm>>) target(%dma_start3A_35 : memref<32x768xf32, #tpu.memory_space<vmem>>) target_semaphore(%arg6 : memref<!tpu.dma_semaphore, #tpu.memory_space<semaphore_mem>>)
    %dma_start3A_38 = arith.constant 64 : i32
    %dma_start3A_39 = arith.constant 0 : i32
    %dma_start3A_40 = tpu.memref_slice %arg4[%dma_start3A_38, %dma_start3A_39] : memref<128x768xf32, #tpu.memory_space<vmem>> -> memref<32x768xf32, #tpu.memory_space<vmem>>
    %dma_start3A_41 = arith.constant 0 : i32
    %dma_start3A_42 = tpu.memref_slice %arg2[%add3A_8, %dma_start3A_41] : memref<4096x768xf32, #tpu.memory_space<hbm>> -> memref<32x768xf32, #tpu.memory_space<hbm>>
    %dma_start3A_43 = arith.constant 64 : i32
    %dma_start3A_44 = arith.constant 0 : i32
    %dma_start3A_45 = tpu.memref_slice %arg4[%dma_start3A_43, %dma_start3A_44] : memref<128x768xf32, #tpu.memory_space<vmem>> -> memref<32x768xf32, #tpu.memory_space<vmem>>
    %dma_start3A_46 = arith.constant 0 : i32
    %dma_start3A_47 = tpu.memref_slice %arg2[%add3A_8, %dma_start3A_46] : memref<4096x768xf32, #tpu.memory_space<hbm>> -> memref<32x768xf32, #tpu.memory_space<hbm>>
    tpu.enqueue_dma source(%dma_start3A_47 : memref<32x768xf32, #tpu.memory_space<hbm>>) target(%dma_start3A_45 : memref<32x768xf32, #tpu.memory_space<vmem>>) target_semaphore(%arg7 : memref<!tpu.dma_semaphore, #tpu.memory_space<semaphore_mem>>)
    %dma_start3A_48 = arith.constant 96 : i32
    %dma_start3A_49 = arith.constant 0 : i32
    %dma_start3A_50 = tpu.memref_slice %arg4[%dma_start3A_48, %dma_start3A_49] : memref<128x768xf32, #tpu.memory_space<vmem>> -> memref<32x768xf32, #tpu.memory_space<vmem>>
    %dma_start3A_51 = arith.constant 0 : i32
    %dma_start3A_52 = tpu.memref_slice %arg2[%add3A_10, %dma_start3A_51] : memref<4096x768xf32, #tpu.memory_space<hbm>> -> memref<32x768xf32, #tpu.memory_space<hbm>>
    %dma_start3A_53 = arith.constant 96 : i32
    %dma_start3A_54 = arith.constant 0 : i32
    %dma_start3A_55 = tpu.memref_slice %arg4[%dma_start3A_53, %dma_start3A_54] : memref<128x768xf32, #tpu.memory_space<vmem>> -> memref<32x768xf32, #tpu.memory_space<vmem>>
    %dma_start3A_56 = arith.constant 0 : i32
    %dma_start3A_57 = tpu.memref_slice %arg2[%add3A_10, %dma_start3A_56] : memref<4096x768xf32, #tpu.memory_space<hbm>> -> memref<32x768xf32, #tpu.memory_space<hbm>>
    tpu.enqueue_dma source(%dma_start3A_57 : memref<32x768xf32, #tpu.memory_space<hbm>>) target(%dma_start3A_55 : memref<32x768xf32, #tpu.memory_space<vmem>>) target_semaphore(%arg8 : memref<!tpu.dma_semaphore, #tpu.memory_space<semaphore_mem>>)
    %dma_wait3A = arith.constant 0 : i32
    %dma_wait3A_58 = arith.constant 0 : i32
    %dma_wait3A_59 = tpu.memref_slice %arg4[%dma_wait3A, %dma_wait3A_58] : memref<128x768xf32, #tpu.memory_space<vmem>> -> memref<32x768xf32, #tpu.memory_space<vmem>>
    %dma_wait3A_60 = arith.constant 0 : i32
    %dma_wait3A_61 = tpu.memref_slice %arg2[%add3A_4, %dma_wait3A_60] : memref<4096x768xf32, #tpu.memory_space<hbm>> -> memref<32x768xf32, #tpu.memory_space<hbm>>
    %dma_wait3A_62 = arith.constant 0 : i32
    %dma_wait3A_63 = arith.constant 0 : i32
    %dma_wait3A_64 = tpu.memref_slice %arg4[%dma_wait3A_62, %dma_wait3A_63] : memref<128x768xf32, #tpu.memory_space<vmem>> -> memref<32x768xf32, #tpu.memory_space<vmem>>
    %dma_wait3A_65 = arith.constant 0 : i32
    %dma_wait3A_66 = tpu.memref_slice %arg2[%add3A_4, %dma_wait3A_65] : memref<4096x768xf32, #tpu.memory_space<hbm>> -> memref<32x768xf32, #tpu.memory_space<hbm>>
    tpu.wait_dma2 semaphore(%arg5 : memref<!tpu.dma_semaphore, #tpu.memory_space<semaphore_mem>>) src(%dma_wait3A_66 : memref<32x768xf32, #tpu.memory_space<hbm>>) dst(%dma_wait3A_64 : memref<32x768xf32, #tpu.memory_space<vmem>>)
    %eq3A = arith.constant 17 : i32
    %eq3A_67 = arith.cmpi eq, %add3A, %eq3A : i32
    %convert_element_type3A = arith.extui %eq3A_67 : i1 to i32
    %cond3A = arith.constant 0 : i32
    %cond3A_68 = arith.cmpi ne, %convert_element_type3A, %cond3A : i32
    scf.if %cond3A_68 {
      "tpu.region"() ({
        %run_scoped3A = tpu.sem_alloc : memref<!tpu.dma_semaphore, #tpu.memory_space<semaphore_mem>>
        %dma_start3A_179 = arith.constant 16 : i32
        %dma_start3A_180 = arith.constant 0 : i32
        %dma_start3A_181 = tpu.memref_slice %arg4[%dma_start3A_179, %dma_start3A_180] : memref<128x768xf32, #tpu.memory_space<vmem>> -> memref<1x768xf32, #tpu.memory_space<vmem>>
        %dma_start3A_182 = arith.constant 2194 : i32
        %dma_start3A_183 = arith.constant 0 : i32
        %dma_start3A_184 = tpu.memref_slice %arg2[%dma_start3A_182, %dma_start3A_183] : memref<4096x768xf32, #tpu.memory_space<hbm>> -> memref<1x768xf32, #tpu.memory_space<hbm>>
        %dma_start3A_185 = arith.constant 16 : i32
        %dma_start3A_186 = arith.constant 0 : i32
        %dma_start3A_187 = tpu.memref_slice %arg4[%dma_start3A_185, %dma_start3A_186] : memref<128x768xf32, #tpu.memory_space<vmem>> -> memref<1x768xf32, #tpu.memory_space<vmem>>
        %dma_start3A_188 = arith.constant 2194 : i32
        %dma_start3A_189 = arith.constant 0 : i32
        %dma_start3A_190 = tpu.memref_slice %arg2[%dma_start3A_188, %dma_start3A_189] : memref<4096x768xf32, #tpu.memory_space<hbm>> -> memref<1x768xf32, #tpu.memory_space<hbm>>
        tpu.enqueue_dma source(%dma_start3A_190 : memref<1x768xf32, #tpu.memory_space<hbm>>) target(%dma_start3A_187 : memref<1x768xf32, #tpu.memory_space<vmem>>) target_semaphore(%run_scoped3A : memref<!tpu.dma_semaphore, #tpu.memory_space<semaphore_mem>>)
        %dma_wait3A_191 = arith.constant 16 : i32
        %dma_wait3A_192 = arith.constant 0 : i32
        %dma_wait3A_193 = tpu.memref_slice %arg4[%dma_wait3A_191, %dma_wait3A_192] : memref<128x768xf32, #tpu.memory_space<vmem>> -> memref<1x768xf32, #tpu.memory_space<vmem>>
        %dma_wait3A_194 = arith.constant 2194 : i32
        %dma_wait3A_195 = arith.constant 0 : i32
        %dma_wait3A_196 = tpu.memref_slice %arg2[%dma_wait3A_194, %dma_wait3A_195] : memref<4096x768xf32, #tpu.memory_space<hbm>> -> memref<1x768xf32, #tpu.memory_space<hbm>>
        %dma_wait3A_197 = arith.constant 16 : i32
        %dma_wait3A_198 = arith.constant 0 : i32
        %dma_wait3A_199 = tpu.memref_slice %arg4[%dma_wait3A_197, %dma_wait3A_198] : memref<128x768xf32, #tpu.memory_space<vmem>> -> memref<1x768xf32, #tpu.memory_space<vmem>>
        %dma_wait3A_200 = arith.constant 2194 : i32
        %dma_wait3A_201 = arith.constant 0 : i32
        %dma_wait3A_202 = tpu.memref_slice %arg2[%dma_wait3A_200, %dma_wait3A_201] : memref<4096x768xf32, #tpu.memory_space<hbm>> -> memref<1x768xf32, #tpu.memory_space<hbm>>
        tpu.wait_dma2 semaphore(%run_scoped3A : memref<!tpu.dma_semaphore, #tpu.memory_space<semaphore_mem>>) src(%dma_wait3A_202 : memref<1x768xf32, #tpu.memory_space<hbm>>) dst(%dma_wait3A_199 : memref<1x768xf32, #tpu.memory_space<vmem>>)
        tpu.yield
      }) : () -> ()
      "tpu.region"() ({
        %run_scoped3A = tpu.sem_alloc : memref<!tpu.dma_semaphore, #tpu.memory_space<semaphore_mem>>
        %dma_start3A_179 = arith.constant 17 : i32
        %dma_start3A_180 = arith.constant 0 : i32
        %dma_start3A_181 = tpu.memref_slice %arg4[%dma_start3A_179, %dma_start3A_180] : memref<128x768xf32, #tpu.memory_space<vmem>> -> memref<1x768xf32, #tpu.memory_space<vmem>>
        %dma_start3A_182 = arith.constant 2192 : i32
        %dma_start3A_183 = arith.constant 0 : i32
        %dma_start3A_184 = tpu.memref_slice %arg2[%dma_start3A_182, %dma_start3A_183] : memref<4096x768xf32, #tpu.memory_space<hbm>> -> memref<1x768xf32, #tpu.memory_space<hbm>>
        %dma_start3A_185 = arith.constant 17 : i32
        %dma_start3A_186 = arith.constant 0 : i32
        %dma_start3A_187 = tpu.memref_slice %arg4[%dma_start3A_185, %dma_start3A_186] : memref<128x768xf32, #tpu.memory_space<vmem>> -> memref<1x768xf32, #tpu.memory_space<vmem>>
        %dma_start3A_188 = arith.constant 2192 : i32
        %dma_start3A_189 = arith.constant 0 : i32
        %dma_start3A_190 = tpu.memref_slice %arg2[%dma_start3A_188, %dma_start3A_189] : memref<4096x768xf32, #tpu.memory_space<hbm>> -> memref<1x768xf32, #tpu.memory_space<hbm>>
        tpu.enqueue_dma source(%dma_start3A_190 : memref<1x768xf32, #tpu.memory_space<hbm>>) target(%dma_start3A_187 : memref<1x768xf32, #tpu.memory_space<vmem>>) target_semaphore(%run_scoped3A : memref<!tpu.dma_semaphore, #tpu.memory_space<semaphore_mem>>)
        %dma_wait3A_191 = arith.constant 17 : i32
        %dma_wait3A_192 = arith.constant 0 : i32
        %dma_wait3A_193 = tpu.memref_slice %arg4[%dma_wait3A_191, %dma_wait3A_192] : memref<128x768xf32, #tpu.memory_space<vmem>> -> memref<1x768xf32, #tpu.memory_space<vmem>>
        %dma_wait3A_194 = arith.constant 2192 : i32
        %dma_wait3A_195 = arith.constant 0 : i32
        %dma_wait3A_196 = tpu.memref_slice %arg2[%dma_wait3A_194, %dma_wait3A_195] : memref<4096x768xf32, #tpu.memory_space<hbm>> -> memref<1x768xf32, #tpu.memory_space<hbm>>
        %dma_wait3A_197 = arith.constant 17 : i32
        %dma_wait3A_198 = arith.constant 0 : i32
        %dma_wait3A_199 = tpu.memref_slice %arg4[%dma_wait3A_197, %dma_wait3A_198] : memref<128x768xf32, #tpu.memory_space<vmem>> -> memref<1x768xf32, #tpu.memory_space<vmem>>
        %dma_wait3A_200 = arith.constant 2192 : i32
        %dma_wait3A_201 = arith.constant 0 : i32
        %dma_wait3A_202 = tpu.memref_slice %arg2[%dma_wait3A_200, %dma_wait3A_201] : memref<4096x768xf32, #tpu.memory_space<hbm>> -> memref<1x768xf32, #tpu.memory_space<hbm>>
        tpu.wait_dma2 semaphore(%run_scoped3A : memref<!tpu.dma_semaphore, #tpu.memory_space<semaphore_mem>>) src(%dma_wait3A_202 : memref<1x768xf32, #tpu.memory_space<hbm>>) dst(%dma_wait3A_199 : memref<1x768xf32, #tpu.memory_space<vmem>>)
        tpu.yield
      }) : () -> ()
      "tpu.region"() ({
        %run_scoped3A = tpu.sem_alloc : memref<!tpu.dma_semaphore, #tpu.memory_space<semaphore_mem>>
        %dma_start3A_179 = arith.constant 18 : i32
        %dma_start3A_180 = arith.constant 0 : i32
        %dma_start3A_181 = tpu.memref_slice %arg4[%dma_start3A_179, %dma_start3A_180] : memref<128x768xf32, #tpu.memory_space<vmem>> -> memref<1x768xf32, #tpu.memory_space<vmem>>
        %dma_start3A_182 = arith.constant 2193 : i32
        %dma_start3A_183 = arith.constant 0 : i32
        %dma_start3A_184 = tpu.memref_slice %arg2[%dma_start3A_182, %dma_start3A_183] : memref<4096x768xf32, #tpu.memory_space<hbm>> -> memref<1x768xf32, #tpu.memory_space<hbm>>
        %dma_start3A_185 = arith.constant 18 : i32
        %dma_start3A_186 = arith.constant 0 : i32
        %dma_start3A_187 = tpu.memref_slice %arg4[%dma_start3A_185, %dma_start3A_186] : memref<128x768xf32, #tpu.memory_space<vmem>> -> memref<1x768xf32, #tpu.memory_space<vmem>>
        %dma_start3A_188 = arith.constant 2193 : i32
        %dma_start3A_189 = arith.constant 0 : i32
        %dma_start3A_190 = tpu.memref_slice %arg2[%dma_start3A_188, %dma_start3A_189] : memref<4096x768xf32, #tpu.memory_space<hbm>> -> memref<1x768xf32, #tpu.memory_space<hbm>>
        tpu.enqueue_dma source(%dma_start3A_190 : memref<1x768xf32, #tpu.memory_space<hbm>>) target(%dma_start3A_187 : memref<1x768xf32, #tpu.memory_space<vmem>>) target_semaphore(%run_scoped3A : memref<!tpu.dma_semaphore, #tpu.memory_space<semaphore_mem>>)
        %dma_wait3A_191 = arith.constant 18 : i32
        %dma_wait3A_192 = arith.constant 0 : i32
        %dma_wait3A_193 = tpu.memref_slice %arg4[%dma_wait3A_191, %dma_wait3A_192] : memref<128x768xf32, #tpu.memory_space<vmem>> -> memref<1x768xf32, #tpu.memory_space<vmem>>
        %dma_wait3A_194 = arith.constant 2193 : i32
        %dma_wait3A_195 = arith.constant 0 : i32
        %dma_wait3A_196 = tpu.memref_slice %arg2[%dma_wait3A_194, %dma_wait3A_195] : memref<4096x768xf32, #tpu.memory_space<hbm>> -> memref<1x768xf32, #tpu.memory_space<hbm>>
        %dma_wait3A_197 = arith.constant 18 : i32
        %dma_wait3A_198 = arith.constant 0 : i32
        %dma_wait3A_199 = tpu.memref_slice %arg4[%dma_wait3A_197, %dma_wait3A_198] : memref<128x768xf32, #tpu.memory_space<vmem>> -> memref<1x768xf32, #tpu.memory_space<vmem>>
        %dma_wait3A_200 = arith.constant 2193 : i32
        %dma_wait3A_201 = arith.constant 0 : i32
        %dma_wait3A_202 = tpu.memref_slice %arg2[%dma_wait3A_200, %dma_wait3A_201] : memref<4096x768xf32, #tpu.memory_space<hbm>> -> memref<1x768xf32, #tpu.memory_space<hbm>>
        tpu.wait_dma2 semaphore(%run_scoped3A : memref<!tpu.dma_semaphore, #tpu.memory_space<semaphore_mem>>) src(%dma_wait3A_202 : memref<1x768xf32, #tpu.memory_space<hbm>>) dst(%dma_wait3A_199 : memref<1x768xf32, #tpu.memory_space<vmem>>)
        tpu.yield
      }) : () -> ()
    } else {
    }
    %dma_start3A_69 = arith.constant 0 : i32
    %dma_start3A_70 = arith.constant 0 : i32
    %dma_start3A_71 = tpu.memref_slice %arg4[%dma_start3A_69, %dma_start3A_70] : memref<128x768xf32, #tpu.memory_space<vmem>> -> memref<32x768xf32, #tpu.memory_space<vmem>>
    %dma_start3A_72 = arith.constant 0 : i32
    %dma_start3A_73 = tpu.memref_slice %arg3[%add3A_12, %dma_start3A_72] : memref<4096x768xf32, #tpu.memory_space<hbm>> -> memref<32x768xf32, #tpu.memory_space<hbm>>
    %dma_start3A_74 = arith.constant 0 : i32
    %dma_start3A_75 = tpu.memref_slice %arg3[%add3A_12, %dma_start3A_74] : memref<4096x768xf32, #tpu.memory_space<hbm>> -> memref<32x768xf32, #tpu.memory_space<hbm>>
    %dma_start3A_76 = arith.constant 0 : i32
    %dma_start3A_77 = arith.constant 0 : i32
    %dma_start3A_78 = tpu.memref_slice %arg4[%dma_start3A_76, %dma_start3A_77] : memref<128x768xf32, #tpu.memory_space<vmem>> -> memref<32x768xf32, #tpu.memory_space<vmem>>
    tpu.enqueue_dma source(%dma_start3A_78 : memref<32x768xf32, #tpu.memory_space<vmem>>) target(%dma_start3A_75 : memref<32x768xf32, #tpu.memory_space<hbm>>) target_semaphore(%arg9 : memref<!tpu.dma_semaphore, #tpu.memory_space<semaphore_mem>>)
    %dma_wait3A_79 = arith.constant 32 : i32
    %dma_wait3A_80 = arith.constant 0 : i32
    %dma_wait3A_81 = tpu.memref_slice %arg4[%dma_wait3A_79, %dma_wait3A_80] : memref<128x768xf32, #tpu.memory_space<vmem>> -> memref<32x768xf32, #tpu.memory_space<vmem>>
    %dma_wait3A_82 = arith.constant 0 : i32
    %dma_wait3A_83 = tpu.memref_slice %arg2[%add3A_6, %dma_wait3A_82] : memref<4096x768xf32, #tpu.memory_space<hbm>> -> memref<32x768xf32, #tpu.memory_space<hbm>>
    %dma_wait3A_84 = arith.constant 32 : i32
    %dma_wait3A_85 = arith.constant 0 : i32
    %dma_wait3A_86 = tpu.memref_slice %arg4[%dma_wait3A_84, %dma_wait3A_85] : memref<128x768xf32, #tpu.memory_space<vmem>> -> memref<32x768xf32, #tpu.memory_space<vmem>>
    %dma_wait3A_87 = arith.constant 0 : i32
    %dma_wait3A_88 = tpu.memref_slice %arg2[%add3A_6, %dma_wait3A_87] : memref<4096x768xf32, #tpu.memory_space<hbm>> -> memref<32x768xf32, #tpu.memory_space<hbm>>
    tpu.wait_dma2 semaphore(%arg6 : memref<!tpu.dma_semaphore, #tpu.memory_space<semaphore_mem>>) src(%dma_wait3A_88 : memref<32x768xf32, #tpu.memory_space<hbm>>) dst(%dma_wait3A_86 : memref<32x768xf32, #tpu.memory_space<vmem>>)
    %dma_start3A_89 = arith.constant 32 : i32
    %dma_start3A_90 = arith.constant 0 : i32
    %dma_start3A_91 = tpu.memref_slice %arg4[%dma_start3A_89, %dma_start3A_90] : memref<128x768xf32, #tpu.memory_space<vmem>> -> memref<32x768xf32, #tpu.memory_space<vmem>>
    %dma_start3A_92 = arith.constant 0 : i32
    %dma_start3A_93 = tpu.memref_slice %arg3[%add3A_14, %dma_start3A_92] : memref<4096x768xf32, #tpu.memory_space<hbm>> -> memref<32x768xf32, #tpu.memory_space<hbm>>
    %dma_start3A_94 = arith.constant 0 : i32
    %dma_start3A_95 = tpu.memref_slice %arg3[%add3A_14, %dma_start3A_94] : memref<4096x768xf32, #tpu.memory_space<hbm>> -> memref<32x768xf32, #tpu.memory_space<hbm>>
    %dma_start3A_96 = arith.constant 32 : i32
    %dma_start3A_97 = arith.constant 0 : i32
    %dma_start3A_98 = tpu.memref_slice %arg4[%dma_start3A_96, %dma_start3A_97] : memref<128x768xf32, #tpu.memory_space<vmem>> -> memref<32x768xf32, #tpu.memory_space<vmem>>
    tpu.enqueue_dma source(%dma_start3A_98 : memref<32x768xf32, #tpu.memory_space<vmem>>) target(%dma_start3A_95 : memref<32x768xf32, #tpu.memory_space<hbm>>) target_semaphore(%arg10 : memref<!tpu.dma_semaphore, #tpu.memory_space<semaphore_mem>>)
    %dma_wait3A_99 = arith.constant 64 : i32
    %dma_wait3A_100 = arith.constant 0 : i32
    %dma_wait3A_101 = tpu.memref_slice %arg4[%dma_wait3A_99, %dma_wait3A_100] : memref<128x768xf32, #tpu.memory_space<vmem>> -> memref<32x768xf32, #tpu.memory_space<vmem>>
    %dma_wait3A_102 = arith.constant 0 : i32
    %dma_wait3A_103 = tpu.memref_slice %arg2[%add3A_8, %dma_wait3A_102] : memref<4096x768xf32, #tpu.memory_space<hbm>> -> memref<32x768xf32, #tpu.memory_space<hbm>>
    %dma_wait3A_104 = arith.constant 64 : i32
    %dma_wait3A_105 = arith.constant 0 : i32
    %dma_wait3A_106 = tpu.memref_slice %arg4[%dma_wait3A_104, %dma_wait3A_105] : memref<128x768xf32, #tpu.memory_space<vmem>> -> memref<32x768xf32, #tpu.memory_space<vmem>>
    %dma_wait3A_107 = arith.constant 0 : i32
    %dma_wait3A_108 = tpu.memref_slice %arg2[%add3A_8, %dma_wait3A_107] : memref<4096x768xf32, #tpu.memory_space<hbm>> -> memref<32x768xf32, #tpu.memory_space<hbm>>
    tpu.wait_dma2 semaphore(%arg7 : memref<!tpu.dma_semaphore, #tpu.memory_space<semaphore_mem>>) src(%dma_wait3A_108 : memref<32x768xf32, #tpu.memory_space<hbm>>) dst(%dma_wait3A_106 : memref<32x768xf32, #tpu.memory_space<vmem>>)
    %dma_start3A_109 = arith.constant 64 : i32
    %dma_start3A_110 = arith.constant 0 : i32
    %dma_start3A_111 = tpu.memref_slice %arg4[%dma_start3A_109, %dma_start3A_110] : memref<128x768xf32, #tpu.memory_space<vmem>> -> memref<32x768xf32, #tpu.memory_space<vmem>>
    %dma_start3A_112 = arith.constant 0 : i32
    %dma_start3A_113 = tpu.memref_slice %arg3[%add3A_16, %dma_start3A_112] : memref<4096x768xf32, #tpu.memory_space<hbm>> -> memref<32x768xf32, #tpu.memory_space<hbm>>
    %dma_start3A_114 = arith.constant 0 : i32
    %dma_start3A_115 = tpu.memref_slice %arg3[%add3A_16, %dma_start3A_114] : memref<4096x768xf32, #tpu.memory_space<hbm>> -> memref<32x768xf32, #tpu.memory_space<hbm>>
    %dma_start3A_116 = arith.constant 64 : i32
    %dma_start3A_117 = arith.constant 0 : i32
    %dma_start3A_118 = tpu.memref_slice %arg4[%dma_start3A_116, %dma_start3A_117] : memref<128x768xf32, #tpu.memory_space<vmem>> -> memref<32x768xf32, #tpu.memory_space<vmem>>
    tpu.enqueue_dma source(%dma_start3A_118 : memref<32x768xf32, #tpu.memory_space<vmem>>) target(%dma_start3A_115 : memref<32x768xf32, #tpu.memory_space<hbm>>) target_semaphore(%arg11 : memref<!tpu.dma_semaphore, #tpu.memory_space<semaphore_mem>>)
    %dma_wait3A_119 = arith.constant 96 : i32
    %dma_wait3A_120 = arith.constant 0 : i32
    %dma_wait3A_121 = tpu.memref_slice %arg4[%dma_wait3A_119, %dma_wait3A_120] : memref<128x768xf32, #tpu.memory_space<vmem>> -> memref<32x768xf32, #tpu.memory_space<vmem>>
    %dma_wait3A_122 = arith.constant 0 : i32
    %dma_wait3A_123 = tpu.memref_slice %arg2[%add3A_10, %dma_wait3A_122] : memref<4096x768xf32, #tpu.memory_space<hbm>> -> memref<32x768xf32, #tpu.memory_space<hbm>>
    %dma_wait3A_124 = arith.constant 96 : i32
    %dma_wait3A_125 = arith.constant 0 : i32
    %dma_wait3A_126 = tpu.memref_slice %arg4[%dma_wait3A_124, %dma_wait3A_125] : memref<128x768xf32, #tpu.memory_space<vmem>> -> memref<32x768xf32, #tpu.memory_space<vmem>>
    %dma_wait3A_127 = arith.constant 0 : i32
    %dma_wait3A_128 = tpu.memref_slice %arg2[%add3A_10, %dma_wait3A_127] : memref<4096x768xf32, #tpu.memory_space<hbm>> -> memref<32x768xf32, #tpu.memory_space<hbm>>
    tpu.wait_dma2 semaphore(%arg8 : memref<!tpu.dma_semaphore, #tpu.memory_space<semaphore_mem>>) src(%dma_wait3A_128 : memref<32x768xf32, #tpu.memory_space<hbm>>) dst(%dma_wait3A_126 : memref<32x768xf32, #tpu.memory_space<vmem>>)
    %dma_start3A_129 = arith.constant 96 : i32
    %dma_start3A_130 = arith.constant 0 : i32
    %dma_start3A_131 = tpu.memref_slice %arg4[%dma_start3A_129, %dma_start3A_130] : memref<128x768xf32, #tpu.memory_space<vmem>> -> memref<32x768xf32, #tpu.memory_space<vmem>>
    %dma_start3A_132 = arith.constant 0 : i32
    %dma_start3A_133 = tpu.memref_slice %arg3[%add3A_18, %dma_start3A_132] : memref<4096x768xf32, #tpu.memory_space<hbm>> -> memref<32x768xf32, #tpu.memory_space<hbm>>
    %dma_start3A_134 = arith.constant 0 : i32
    %dma_start3A_135 = tpu.memref_slice %arg3[%add3A_18, %dma_start3A_134] : memref<4096x768xf32, #tpu.memory_space<hbm>> -> memref<32x768xf32, #tpu.memory_space<hbm>>
    %dma_start3A_136 = arith.constant 96 : i32
    %dma_start3A_137 = arith.constant 0 : i32
    %dma_start3A_138 = tpu.memref_slice %arg4[%dma_start3A_136, %dma_start3A_137] : memref<128x768xf32, #tpu.memory_space<vmem>> -> memref<32x768xf32, #tpu.memory_space<vmem>>
    tpu.enqueue_dma source(%dma_start3A_138 : memref<32x768xf32, #tpu.memory_space<vmem>>) target(%dma_start3A_135 : memref<32x768xf32, #tpu.memory_space<hbm>>) target_semaphore(%arg12 : memref<!tpu.dma_semaphore, #tpu.memory_space<semaphore_mem>>)
    %dma_wait3A_139 = arith.constant 0 : i32
    %dma_wait3A_140 = arith.constant 0 : i32
    %dma_wait3A_141 = tpu.memref_slice %arg4[%dma_wait3A_139, %dma_wait3A_140] : memref<128x768xf32, #tpu.memory_space<vmem>> -> memref<32x768xf32, #tpu.memory_space<vmem>>
    %dma_wait3A_142 = arith.constant 0 : i32
    %dma_wait3A_143 = tpu.memref_slice %arg3[%add3A_12, %dma_wait3A_142] : memref<4096x768xf32, #tpu.memory_space<hbm>> -> memref<32x768xf32, #tpu.memory_space<hbm>>
    %dma_wait3A_144 = arith.constant 0 : i32
    %dma_wait3A_145 = tpu.memref_slice %arg3[%add3A_12, %dma_wait3A_144] : memref<4096x768xf32, #tpu.memory_space<hbm>> -> memref<32x768xf32, #tpu.memory_space<hbm>>
    %dma_wait3A_146 = arith.constant 0 : i32
    %dma_wait3A_147 = arith.constant 0 : i32
    %dma_wait3A_148 = tpu.memref_slice %arg4[%dma_wait3A_146, %dma_wait3A_147] : memref<128x768xf32, #tpu.memory_space<vmem>> -> memref<32x768xf32, #tpu.memory_space<vmem>>
    tpu.wait_dma2 semaphore(%arg9 : memref<!tpu.dma_semaphore, #tpu.memory_space<semaphore_mem>>) src(%dma_wait3A_148 : memref<32x768xf32, #tpu.memory_space<vmem>>) dst(%dma_wait3A_145 : memref<32x768xf32, #tpu.memory_space<hbm>>)
    %dma_wait3A_149 = arith.constant 32 : i32
    %dma_wait3A_150 = arith.constant 0 : i32
    %dma_wait3A_151 = tpu.memref_slice %arg4[%dma_wait3A_149, %dma_wait3A_150] : memref<128x768xf32, #tpu.memory_space<vmem>> -> memref<32x768xf32, #tpu.memory_space<vmem>>
    %dma_wait3A_152 = arith.constant 0 : i32
    %dma_wait3A_153 = tpu.memref_slice %arg3[%add3A_14, %dma_wait3A_152] : memref<4096x768xf32, #tpu.memory_space<hbm>> -> memref<32x768xf32, #tpu.memory_space<hbm>>
    %dma_wait3A_154 = arith.constant 0 : i32
    %dma_wait3A_155 = tpu.memref_slice %arg3[%add3A_14, %dma_wait3A_154] : memref<4096x768xf32, #tpu.memory_space<hbm>> -> memref<32x768xf32, #tpu.memory_space<hbm>>
    %dma_wait3A_156 = arith.constant 32 : i32
    %dma_wait3A_157 = arith.constant 0 : i32
    %dma_wait3A_158 = tpu.memref_slice %arg4[%dma_wait3A_156, %dma_wait3A_157] : memref<128x768xf32, #tpu.memory_space<vmem>> -> memref<32x768xf32, #tpu.memory_space<vmem>>
    tpu.wait_dma2 semaphore(%arg10 : memref<!tpu.dma_semaphore, #tpu.memory_space<semaphore_mem>>) src(%dma_wait3A_158 : memref<32x768xf32, #tpu.memory_space<vmem>>) dst(%dma_wait3A_155 : memref<32x768xf32, #tpu.memory_space<hbm>>)
    %dma_wait3A_159 = arith.constant 64 : i32
    %dma_wait3A_160 = arith.constant 0 : i32
    %dma_wait3A_161 = tpu.memref_slice %arg4[%dma_wait3A_159, %dma_wait3A_160] : memref<128x768xf32, #tpu.memory_space<vmem>> -> memref<32x768xf32, #tpu.memory_space<vmem>>
    %dma_wait3A_162 = arith.constant 0 : i32
    %dma_wait3A_163 = tpu.memref_slice %arg3[%add3A_16, %dma_wait3A_162] : memref<4096x768xf32, #tpu.memory_space<hbm>> -> memref<32x768xf32, #tpu.memory_space<hbm>>
    %dma_wait3A_164 = arith.constant 0 : i32
    %dma_wait3A_165 = tpu.memref_slice %arg3[%add3A_16, %dma_wait3A_164] : memref<4096x768xf32, #tpu.memory_space<hbm>> -> memref<32x768xf32, #tpu.memory_space<hbm>>
    %dma_wait3A_166 = arith.constant 64 : i32
    %dma_wait3A_167 = arith.constant 0 : i32
    %dma_wait3A_168 = tpu.memref_slice %arg4[%dma_wait3A_166, %dma_wait3A_167] : memref<128x768xf32, #tpu.memory_space<vmem>> -> memref<32x768xf32, #tpu.memory_space<vmem>>
    tpu.wait_dma2 semaphore(%arg11 : memref<!tpu.dma_semaphore, #tpu.memory_space<semaphore_mem>>) src(%dma_wait3A_168 : memref<32x768xf32, #tpu.memory_space<vmem>>) dst(%dma_wait3A_165 : memref<32x768xf32, #tpu.memory_space<hbm>>)
    %dma_wait3A_169 = arith.constant 96 : i32
    %dma_wait3A_170 = arith.constant 0 : i32
    %dma_wait3A_171 = tpu.memref_slice %arg4[%dma_wait3A_169, %dma_wait3A_170] : memref<128x768xf32, #tpu.memory_space<vmem>> -> memref<32x768xf32, #tpu.memory_space<vmem>>
    %dma_wait3A_172 = arith.constant 0 : i32
    %dma_wait3A_173 = tpu.memref_slice %arg3[%add3A_18, %dma_wait3A_172] : memref<4096x768xf32, #tpu.memory_space<hbm>> -> memref<32x768xf32, #tpu.memory_space<hbm>>
    %dma_wait3A_174 = arith.constant 0 : i32
    %dma_wait3A_175 = tpu.memref_slice %arg3[%add3A_18, %dma_wait3A_174] : memref<4096x768xf32, #tpu.memory_space<hbm>> -> memref<32x768xf32, #tpu.memory_space<hbm>>
    %dma_wait3A_176 = arith.constant 96 : i32
    %dma_wait3A_177 = arith.constant 0 : i32
    %dma_wait3A_178 = tpu.memref_slice %arg4[%dma_wait3A_176, %dma_wait3A_177] : memref<128x768xf32, #tpu.memory_space<vmem>> -> memref<32x768xf32, #tpu.memory_space<vmem>>
    tpu.wait_dma2 semaphore(%arg12 : memref<!tpu.dma_semaphore, #tpu.memory_space<semaphore_mem>>) src(%dma_wait3A_178 : memref<32x768xf32, #tpu.memory_space<vmem>>) dst(%dma_wait3A_175 : memref<32x768xf32, #tpu.memory_space<hbm>>)
    return
  }
}

</mosaic_0001>

<sc_bundles>
// kernel: kernel.3.cloned.1.call-start
scs
__scs_entry_jumppad:
0x0: {  	(pc) =	sbr.rel $0x88, $3  }
0x1: {  	(tag) =	ssettag $0x0;
	lr =	simm.s32 $0x1  }
0x2: {  	[smem:$0x3F9F] =	sst lr;
	_ =	strace $0xD0000000  }
0x3: {  	_ = 	snop  }
0x4: {  	_ = 	snop  }
0x5: {  	_ = 	snop  }
0x6: {  	_ = 	snop  }
0x7: {  	_ = 	snop  }
__scs_overlays_trampoline_lowered:
0x8: {  	[smem:$0x3FAE] =	sst s0  }
0x9: {  	[smem:$0x3FAF] =	sst s1  }
0xa: {  	[smem:$0x3FB0] =	sst s2  }
0xb: {  	[smem:$0x3FB1] =	sst s3  }
0xc: {  	[smem:$0x3FB2] =	sst s4  }
0xd: {  	[smem:$0x3FB3] =	sst s5  }
0xe: {  	[smem:$0x3FB4] =	sst s6  }
0xf: {  	[smem:$0x3FB5] =	sst s7  }
0x10: {  	[smem:$0x3FB6] =	sst s8  }
0x11: {  	[smem:$0x3FB7] =	sst s9;
	s0 =	simm.s32 @!p0 $0x0  }
0x12: {  	s1 =	sld [smem:$0x3F9D];
	s0 =	simm.s32 @p0 $0x1  }
0x13: {  	[smem:$0x3FB8] =	sst s0;
	s0 =	simm.s32 @!p1 $0x0  }
0x14: {  	s2 =	sld [smem:$0x3F9C];
	s0 =	simm.s32 @p1 $0x1  }
0x15: {  	[smem:$0x3FB9] =	sst s0;
	s0 =	simm.s32 @!p2 $0x0  }
0x16: {  	s3 =	sld [smem:$0x3FDB];
	s0 =	simm.s32 @p2 $0x1  }
0x17: {  	s4 =	simm.s32 $0x1BF5;
	[smem:$0x3FBB] =	sst s0  }
0x18: {  	s0 =	sld [smem:$0x3F9E];
	_ =	swait.ge [sflag:s4], $0x0  }
0x19: {  	s7 =	sld [smem:$0x3F9F]  }
0x1a: {  	s8 =	sadd.s32 $0xFFFFE003, lr  }
0x1b: {  	s9 =	sadd.s32 $0xFFFFFEF7, lr;
	s5 =	simm.s32 $0xFFFFFFFF;
	p2 =	slt.u32 s8, $0xFFFFF086  }
0x1c: {  	p1 =	slt.u32 s9, $0xF7A;
	s5 =	simm.s32 @!p2 $0x0  }
0x1d: {  	s5 =	simm.s32 @p1 $0x1;
	p0 =	seq.s32 s7, s2  }
0x1e: {  	s7 =	smul.u32 @!p0 $0xF7A, s2;
	p2 =	seq.s32 @!p0 s5, $0x0  }
0x1f: {  	s9 =	smul.u32 $0xF7A, s1;
	s8 =	simm.s32 @!p0 $0x1BF5;
	p2 =	por !p2, p0  }
0x20: {  	[sflag:s8] =	ssyncset.s32 @!p0 $0xFFFFF086;
	s6 =	sadd.s32 @!p0 s3, s7;
	s7 =	simm.s32 @!p0 $0x108  }
0x21: {  	s3 =	sadd.s32 s3, s9;
	s6 =	sadd.s32 @!p0 $0x88, s6;
	s7 =	simm.s32 @p2 $0x1082  }
0x22: {  	[simem:s7], [sflag:s8] =	dma.local @!p0 [hbm:s6], $0xF7A  }
0x23: {  	s9 =	sor.u32 $0xD0000000, s2;
	s6 =	simm.s32 $0x108;
	_ =	swait.ge @!p0 [sflag:s8], $0x0  }
0x24: {  	s3 =	sadd.s32 $0x88, s3;
	s6 =	simm.s32 @!p1 $0x1082;
	[sflag:s4] =	ssyncset.s32 $0xFFFFF086  }
0x25: {  	[simem:s6], [sflag:s4] =	dma.local [hbm:s3], $0xF7A  }
0x26: {  	[smem:$0x3F9F] =	sst s1;
	(tag) =	ssettag s2;
	_ =	strace s9  }
0x27: {  	s1 =	sld [smem:$0x3FAF]  }
0x28: {  	s2 =	sld [smem:$0x3FB0]  }
0x29: {  	s4 =	sld [smem:$0x3FB2]  }
0x2a: {  	p0 =	seq.s32 s5, $0x0;
	s5 =	sld [smem:$0x3FB3]  }
0x2b: {  	s6 =	sld [smem:$0x3FB4]  }
0x2c: {  	s7 =	sld [smem:$0x3FB5]  }
0x2d: {  	s3 =	simm.s32 $0x108;
	s8 =	sld [smem:$0x3FB6]  }
0x2e: {  	s3 =	simm.s32 @!p0 $0x1082;
	s9 =	sld [smem:$0x3FB7]  }
0x2f: {  	lr =	sadd.s32 s0, s3;
	s0 =	sld [smem:$0x3FAE]  }
0x30: {  	s3 =	sld [smem:$0x3FB1]  }
0x31: {  	[smem:$0x3FBA] =	sst s10  }
0x32: {  	s10 =	sld [smem:$0x3FB8];
	_ =	sdelay $0x3  }
0x33: {  	p0 =	seq.s32 s10, $0x1;
	s10 =	sld [smem:$0x3FBA];
	_ =	sdelay $0x3  }
0x34: {  	[smem:$0x3FBA] =	sst s10  }
0x35: {  	s10 =	sld [smem:$0x3FB9];
	_ =	sdelay $0x3  }
0x36: {  	p1 =	seq.s32 s10, $0x1;
	s10 =	sld [smem:$0x3FBA];
	_ =	sdelay $0x3  }
0x37: {  	[smem:$0x3FBA] =	sst s10  }
0x38: {  	s10 =	sld [smem:$0x3FBB]  }
0x39: {  	_ = 	snop;
	(pc) =	sbr.ind lr, $3  }
0x3a: {  	_ = 	snop  }
0x3b: {  	_ = 	snop  }
0x3c: {  	p2 =	seq.s32 s10, $0x1;
	s10 =	sld [smem:$0x3FBA]  }
0x3d: {  	_ =	shalt  }
0x3e: {  	_ =	shalt  }
0x3f: {  	_ =	shalt  }
0x40: {  	_ =	shalt  }
0x41: {  	_ =	shalt  }
0x42: {  	_ =	shalt  }
0x43: {  	_ =	shalt  }
0x44: {  	_ =	shalt  }
0x45: {  	_ =	shalt  }
0x46: {  	_ =	shalt  }
0x47: {  	_ =	shalt  }
0x48: {  	_ =	shalt  }
0x49: {  	_ =	shalt  }
0x4a: {  	_ =	shalt  }
0x4b: {  	_ =	shalt  }
0x4c: {  	_ =	shalt  }
0x4d: {  	_ =	shalt  }
0x4e: {  	_ =	shalt  }
0x4f: {  	_ =	shalt  }
0x50: {  	_ =	shalt  }
0x51: {  	_ =	shalt  }
0x52: {  	_ =	shalt  }
0x53: {  	_ =	shalt  }
0x54: {  	_ =	shalt  }
0x55: {  	_ =	shalt  }
0x56: {  	_ =	shalt  }
0x57: {  	_ =	shalt  }
0x58: {  	_ =	shalt  }
0x59: {  	_ =	shalt  }
0x5a: {  	_ =	shalt  }
0x5b: {  	_ =	shalt  }
0x5c: {  	_ =	shalt  }
0x5d: {  	_ =	shalt  }
0x5e: {  	_ =	shalt  }
0x5f: {  	_ =	shalt  }
0x60: {  	_ =	shalt  }
0x61: {  	_ =	shalt  }
0x62: {  	_ =	shalt  }
0x63: {  	_ =	shalt  }
0x64: {  	_ =	shalt  }
0x65: {  	_ =	shalt  }
0x66: {  	_ =	shalt  }
0x67: {  	_ =	shalt  }
0x68: {  	_ =	shalt  }
0x69: {  	_ =	shalt  }
0x6a: {  	_ =	shalt  }
0x6b: {  	_ =	shalt  }
0x6c: {  	_ =	shalt  }
0x6d: {  	_ =	shalt  }
0x6e: {  	_ =	shalt  }
0x6f: {  	_ =	shalt  }
0x70: {  	_ =	shalt  }
0x71: {  	_ =	shalt  }
0x72: {  	_ =	shalt  }
0x73: {  	_ =	shalt  }
0x74: {  	_ =	shalt  }
0x75: {  	_ =	shalt  }
0x76: {  	_ =	shalt  }
0x77: {  	_ =	shalt  }
0x78: {  	_ =	shalt  }
0x79: {  	_ =	shalt  }
0x7a: {  	_ =	shalt  }
0x7b: {  	_ =	shalt  }
0x7c: {  	_ =	shalt  }
0x7d: {  	_ =	shalt  }
0x7e: {  	_ =	shalt  }
0x7f: {  	_ =	shalt  }
0x80: {  	_ =	shalt  }
0x81: {  	_ =	shalt  }
0x82: {  	_ =	shalt  }
0x83: {  	_ =	shalt  }
0x84: {  	_ =	shalt  }
0x85: {  	_ =	shalt  }
0x86: {  	_ =	shalt  }
0x87: {  	_ =	shalt  }
.Lfunc_end0:
.L_simem_size_0:
called_computation_lowered:
.L_overlay_start_0:
0x88: {  	s2 =	sld [smem:$0x3FD9]  }
0x89: {  	s3 =	sld [smem:$0x3FFE];
	_ =	sdelay $0x1  }
0x8a: {  	s1 =	srdreg.scid  }
0x8b: {  	s0 =	sand.u32 $0x1, s1  }
0x8c: {  	s15 =	sshll.u32 s0, $0xA;
	s2 =	sadd.s32 s3, s2  }
0x8d: {  	s2 =	sadd.s32 s2, s15  }
0x8e: {  	[smem:$0x3FC6] =	sst s2  }
0x8f: {  	_ = 	snop  }
0x90: {  	s2 =	sld [smem:$0x3FD0];
	_ =	sdelay $0x2  }
0x91: {  	s4 =	simm.s32 $0xA;
	s5 =	simm.s32 $0x10;
	s16 =	sld [smem:$0x3FC9]  }
0x92: {  	[smem:s5], [sflag:s4] =	dma.local [hbm:s2], $0x1  }
0x93: {  	_ =	swait.eq [sflag:s4], $0x1  }
0x94: {  	[sflag:s4] =	ssyncset.done $0x0  }
0x95: {  	[sflag:s4] =	ssyncadd.s32 $0xFFFFFFFF  }
0x96: {  	s17 =	sld [smem:$0x10];
	(tm) =	ssettm $0x1  }
0x97: {  	s18 =	sld [smem:$0x3FFB];
	_ =	sdelay $0x3  }
0x98: {  	_ =	strace s18  }
0x99: {  	s4 =	sld [smem:$0x3FFC];
	_ =	sdelay $0x3  }
0x9a: {  	_ =	strace s4  }
0x9b: {  	s4 =	sld [smem:$0x3FFD];
	_ =	sdelay $0x3  }
0x9c: {  	_ =	strace s4  }
0x9d: {  	_ =	strace $0x8FFFFFFF  }
0x9e: {  	s19 =	sld [smem:$0x3FDB];
	_ =	sdelay $0x1  }
0x9f: {  	s20 =	simm.s32 $_scs_section_size  }
0xa0: {  	s6 =	simm.s32 $_size__tile_overlayer_lowered;
	s7 =	simm.s32 $_tile_overlayer_lowered  }
0xa1: {  	s23 =	simm.s32 $0x1BFF;
	s22 =	sshll.u32 s7, $0x1;
	s4 =	sadd.s32 s20, s19  }
0xa2: {  	s8 =	simm.s32 $0x0;
	s21 =	sshll.u32 s6, $0x1;
	s6 =	sadd.s32 s22, s4  }
0xa3: {  	[timem:s8], [sflag:s23] =	dma.local [hbm:s6], s21  }
0xa4: {  	_ =	swait.ge [sflag:s23], s21  }
0xa5: {  	s5 =	ssub.s32 $0x0, s21;
	[sflag:s23] =	ssyncset.done $0x0  }
0xa6: {  	[sflag:s23] =	ssyncadd.s32 s5;
	_ =	sdelay $0x1  }
0xa7: {  	s24 =	simm.s32 $0x1B8B  }
0xa8: {  	_ =	swait.ge [sflag:s24], $0x1  }
0xa9: {  	[sflag:s24] =	ssyncset.done $0x0  }
0xaa: {  	s25 =	simm.s32 $0x1B8E;
	[sflag:s24] =	ssyncadd.s32 $0xFFFFFFFF  }
0xab: {  	s26 =	simm.s32 $execute0_lowered;
	[smem:$0x3FD2] =	sst s25  }
0xac: {  	s5 =	sshll.u32 s26, $0x1;
	_ =	strace $0x80000046;
	[dreg:$0x1] =	wrdreg $0xFFFFFFFF  }
0xad: {  	s28 =	simm.s32 $_size_execute0_lowered;
	s4 =	sadd.s32 s4, s5;
	[dreg:$0x0] =	wrdreg $0x0  }
0xae: {  	s5 =	sshll.u32 s28, $0x1;
	[dreg:$0x2] =	wrdreg s4  }
0xaf: {  	[dreg:$0x3] =	wrdreg s5  }
0xb0: {  	[dreg:$0x4] =	wrdreg $0xC0  }
0xb1: {  	_ =	task [dreg:s8], $0x5FFFF  }
0xb2: {  	[dreg:$0x1] =	wrdreg $0xFFFFFFFF  }
0xb3: {  	[dreg:$0x0] =	wrdreg $0x60  }
0xb4: {  	[dreg:$0x2] =	wrdreg s16  }
0xb5: {  	[dreg:$0x3] =	wrdreg s17  }
0xb6: {  	[dreg:$0x4] =	wrdreg $0x9  }
0xb7: {  	_ =	task.clear_ibuf [dreg:s8], $0x5FFFF;
	_ =	strace $0x90000046  }
0xb8: {  	s29 =	simm.s32 $0x9;
	_ =	strace $0x80000048  }
0xb9: {  	_ =	swait.ge [sflag:s29], $0x1  }
0xba: {  	[sflag:s29] =	ssyncadd.s32 $0xFFFFFFFF  }
0xbb: {  	_ =	strace $0x90000048  }
0xbc: {  	_ =	sfence  }
0xbd: {  	s30 =	sld [smem:$0x0];
	_ =	sdelay $0x2  }
0xbe: {  	s31 =	sshll.u32 s1, $0xD;
	s1 =	sshrl.u32 s1, $0x2  }
0xbf: {  	s3 =	sand.u32 $0x4000, s31;
	s1 =	sadd.s32 s1, s30  }
0xc0: {  	s0 =	sor.u32 s3, s0;
	s1 =	sshll.u32 s1, $0x11  }
0xc1: {  	s0 =	sor.u32 s1, s0  }
0xc2: {  	s0 =	sadd.s32 $0x8F2B, s0  }
0xc3: {  	[sflag:s0] =	ssyncadd.remote.s32 $0x1  }
0xc4: {  	_ =	sfence.sel $0xFFFF  }
0xc5: {  	[dreg:$0x0] =	wrdreg $0xFFFFFFFF;
	(pc) =	sbr.abs _section_cstart, $3  }
0xc6: {  	[dreg:$0x1] =	wrdreg $0xFFFFFFFF  }
0xc7: {  	_ =	task.clear_ibuf [dreg:s8], $0x2FFFF;
	_ =	strace $0x9FFFFFFF  }
0xc8: {  	(tm) =	ssettm $0x7FFFFFFF  }
0xc9: {  	_ =	shalt  }
tec
execute0_lowered:
.L_overlay_start_1:
0x0: {  	(tag) =	ssettag $0x1  }
0x1: {  	s1 =	rddreg [dreg:$0x0]  }
0x2: {  	s0 =	srdreg.scid;
	s3 =	rddreg [dreg:$0x1]  }
0x3: {  	s30 =	stileid.u32;
	s31 =	rddreg [dreg:$0x2];
	s12 =	simm.s32 $0x2  }
0x4: {  	s11 =	simm.s32 $0x3;
	p1 =	por $0x0, $0x0;
	s0 =	sand.u32 $0x1, s0  }
0x5: {  	s2 =	sshll.u32 s30, $0x1;
	s15 =	sadd.s32 $0x33620, s1;
	s14 =	sadd.s32 $0x33600, s1  }
0x6: {  	s13 =	sadd.s32 $0x33610, s1;
	s4 =	sor.u32 s0, s2;
	s2 =	simm.s32 $0x0  }
0x7: {  	s0 =	ssub.s32 $0x2, s0;
	s5 =	smul.u32 $0x3000, s4;
	[smem:$0x7FF] =	sst s2  }
0x8: {  	s6 =	smul.u32 $0x18000, s4;
	s10 =	sshrl.u32 s0, $0x1;
	p0 =	sne.s32 s4, $0x11  }
0x9: {  	s4 =	simm.s32 $0x8;
	_ =	strace $0x80000047;
	s0 =	ssub.s32 s0, s10  }
0xa: {  	s10 =	simm.s32 $0x4;
	s29 =	sadd.s32 @!p0 $0x200, s15;
	s28 =	sadd.s32 @!p0 $0x280, s15  }
0xb: {  	s20 =	sadd.s32 @!p0 $0x80, s13;
	s19 =	sadd.s32 @!p0 $0x100, s13;
	s18 =	sadd.s32 @!p0 $0x180, s13  }
0xc: {  	s17 =	sadd.s32 @!p0 $0x200, s13;
	s16 =	sadd.s32 @!p0 $0x280, s13;
	s7 =	sadd.s32 s1, s5  }
0xd: {  	s8 =	sor.u32 $0xC00, s5;
	s6 =	sshrl.u32 s6, $0x3;
	s5 =	sadd.s32 s3, s5  }
0xe: {  	s0 =	smax.u32 s0, $0x1;
	[dreg:$0x3] =	wrdreg s7;
	s21 =	sadd.s32 s1, s8  }
0xf: {  	s9 =	sadd.s32 $0x1800, s6;
	s6 =	sadd.s32 $0x2400, s6;
	[dreg:$0x7] =	wrdreg s5  }
0x10: {  	s24 =	sadd.s32 s3, s8;
	[dreg:$0x4] =	wrdreg s21;
	s22 =	sadd.s32 s1, s9  }
0x11: {  	s23 =	sadd.s32 s1, s6;
	[dreg:$0x8] =	wrdreg s24;
	s1 =	sadd.s32 @!p0 $0x80, s15  }
0x12: {  	s8 =	simm.s32 $0x6000;
	[dreg:$0xb] =	wrdreg s1;
	s1 =	sadd.s32 @!p0 $0x100, s15  }
0x13: {  	s5 =	simm.s32 $0xC000;
	[dreg:$0xc] =	wrdreg s1;
	s1 =	sadd.s32 @!p0 $0x180, s15  }
0x14: {  	s7 =	simm.s32 $0x6;
	[dreg:$0xd] =	wrdreg s1;
	s1 =	sadd.s32 $0xFFFFFFFF, s0  }
0x15: {  	s25 =	sadd.s32 s3, s9;
	s26 =	sadd.s32 s3, s6;
	p2 =	sne.s32 s1, $0x0  }
.Ltmp0:
0x16: {  	s3 =	simm.s32 $0x12000;
	[dreg:$0x5] =	wrdreg s22;
	(pc) =	sbr.rel @!p2 .LBB2_5-.Ltmp0, $4  }
0x17: {  	s9 =	simm.s32 $0x5;
	s6 =	simm.s32 $0x7;
	[dreg:$0x6] =	wrdreg s23  }
0x18: {  	s24 =	sadd.s32 @!p0 $0x100, s14;
	s21 =	sadd.s32 @!p0 $0x280, s14;
	[dreg:$0x9] =	wrdreg s25  }
0x19: {  	[dreg:$0xa] =	wrdreg s26;
	s26 =	simm.s32 $0x1;
	s25 =	sadd.s32 @!p0 $0x80, s14  }
0x1a: {  	s23 =	sadd.s32 @!p0 $0x180, s14;
	s22 =	sadd.s32 @!p0 $0x200, s14;
	s0 =	rddreg [dreg:$0x3]  }
0x1b: {  	[tilespmem:s2], [sflag:$0x1] =	stream.linear.gather [hbm4b:s0+s2], $0x6000, $0x38;
	[tilespmem:$0x18000] =	vst v63  }
0x1c: {  	s30 =	rddreg [dreg:$0x4]  }
0x1d: {  	[tilespmem:s8], [sflag:$0x2] =	stream.linear.gather [hbm4b:s30+s2], $0x6000, $0x38;
	[tilespmem:$0x18000] =	vst v63  }
0x1e: {  	s9 =	rddreg [dreg:$0x5]  }
0x1f: {  	[tilespmem:s5], [sflag:$0x3] =	stream.linear.gather [hbm4b:s9+s2], $0x6000, $0x38;
	[tilespmem:$0x18000] =	vst v63  }
0x20: {  	s30 =	rddreg [dreg:$0x6]  }
0x21: {  	[tilespmem:s3], [sflag:$0x4] =	stream.linear.gather [hbm4b:s30+s2], $0x6000, $0x38;
	[tilespmem:$0x18000] =	vst v63  }
0x22: {  	_ =	swait.ge [sflag:s26], $0x6000  }
0x23: {  	[sflag:s26] =	ssyncset.done $0x0  }
0x24: {  	s31 =	simm.s32 @!p0 $0x0;
	s30 =	simm.s32 @!p0 $0x3000;
	[sflag:s26] =	ssyncadd.s32 $0xFFFFA000  }
0x25: {  	[tilespmem:s30], [sflag:$0x9] =	stream.linear.gather @!p0 [hbm4b:s15+s31], $0x80, $0x38;
	[tilespmem:$0x18000] =	vst v63  }
0x26: {  	s6 =	simm.s32 @!p0 $0x3400;
	s0 =	rddreg [dreg:$0xb]  }
0x27: {  	[tilespmem:s6], [sflag:$0x9] =	stream.linear.gather @!p0 [hbm4b:s0+s31], $0x80, $0x38;
	[tilespmem:$0x18000] =	vst v63  }
0x28: {  	s7 =	simm.s32 @!p0 $0x3800;
	s30 =	rddreg [dreg:$0xc]  }
0x29: {  	[tilespmem:s7], [sflag:$0x9] =	stream.linear.gather @!p0 [hbm4b:s30+s31], $0x80, $0x38;
	[tilespmem:$0x18000] =	vst v63  }
0x2a: {  	s9 =	simm.s32 @!p0 $0x3C00;
	s0 =	rddreg [dreg:$0xd]  }
0x2b: {  	[tilespmem:s9], [sflag:$0x9] =	stream.linear.gather @!p0 [hbm4b:s0+s31], $0x80, $0x38;
	[tilespmem:$0x18000] =	vst v63  }
0x2c: {  	s0 =	simm.s32 @!p0 $0x4000  }
0x2d: {  	[tilespmem:s0], [sflag:$0x9] =	stream.linear.gather @!p0 [hbm4b:s29+s31], $0x80, $0x38;
	[tilespmem:$0x18000] =	vst v63  }
0x2e: {  	s30 =	simm.s32 @!p0 $0x9;
	s0 =	simm.s32 @!p0 $0x4400  }
0x2f: {  	[tilespmem:s0], [sflag:$0x9] =	stream.linear.gather @!p0 [hbm4b:s28+s31], $0x80, $0x38;
	[tilespmem:$0x18000] =	vst v63  }
0x30: {  	_ =	swait.ge @!p0 [sflag:s30], $0x300  }
0x31: {  	[sflag:s30] =	ssyncset.done @!p0 $0x0  }
0x32: {  	s0 =	simm.s32 @!p0 $0x3080;
	[sflag:s30] =	ssyncadd.s32 @!p0 $0xFFFFFD00  }
0x33: {  	[tilespmem:s0], [sflag:$0x9] =	stream.linear.gather @!p0 [hbm4b:s14+s31], $0x80, $0x38;
	[tilespmem:$0x18000] =	vst v63  }
0x34: {  	s0 =	simm.s32 @!p0 $0x3480  }
0x35: {  	[tilespmem:s0], [sflag:$0x9] =	stream.linear.gather @!p0 [hbm4b:s25+s31], $0x80, $0x38;
	[tilespmem:$0x18000] =	vst v63  }
0x36: {  	s0 =	simm.s32 @!p0 $0x3880  }
0x37: {  	[tilespmem:s0], [sflag:$0x9] =	stream.linear.gather @!p0 [hbm4b:s24+s31], $0x80, $0x38;
	[tilespmem:$0x18000] =	vst v63  }
0x38: {  	s0 =	simm.s32 @!p0 $0x3C80  }
0x39: {  	[tilespmem:s0], [sflag:$0x9] =	stream.linear.gather @!p0 [hbm4b:s23+s31], $0x80, $0x38;
	[tilespmem:$0x18000] =	vst v63  }
0x3a: {  	s0 =	simm.s32 @!p0 $0x4080  }
0x3b: {  	[tilespmem:s0], [sflag:$0x9] =	stream.linear.gather @!p0 [hbm4b:s22+s31], $0x80, $0x38;
	[tilespmem:$0x18000] =	vst v63  }
0x3c: {  	s0 =	simm.s32 @!p0 $0x4480  }
0x3d: {  	[tilespmem:s0], [sflag:$0x9] =	stream.linear.gather @!p0 [hbm4b:s21+s31], $0x80, $0x38;
	[tilespmem:$0x18000] =	vst v63  }
0x3e: {  	_ =	swait.ge @!p0 [sflag:s30], $0x300  }
0x3f: {  	[sflag:s30] =	ssyncset.done @!p0 $0x0  }
0x40: {  	s0 =	simm.s32 @!p0 $0x3100;
	[sflag:s30] =	ssyncadd.s32 @!p0 $0xFFFFFD00  }
0x41: {  	[tilespmem:s0], [sflag:$0x9] =	stream.linear.gather @!p0 [hbm4b:s13+s31], $0x80, $0x38;
	[tilespmem:$0x18000] =	vst v63  }
0x42: {  	s0 =	simm.s32 @!p0 $0x3500  }
0x43: {  	[tilespmem:s0], [sflag:$0x9] =	stream.linear.gather @!p0 [hbm4b:s20+s31], $0x80, $0x38;
	[tilespmem:$0x18000] =	vst v63  }
0x44: {  	s0 =	simm.s32 @!p0 $0x3900  }
0x45: {  	[tilespmem:s0], [sflag:$0x9] =	stream.linear.gather @!p0 [hbm4b:s19+s31], $0x80, $0x38;
	[tilespmem:$0x18000] =	vst v63  }
0x46: {  	s0 =	simm.s32 @!p0 $0x3D00  }
0x47: {  	[tilespmem:s0], [sflag:$0x9] =	stream.linear.gather @!p0 [hbm4b:s18+s31], $0x80, $0x38;
	[tilespmem:$0x18000] =	vst v63  }
0x48: {  	s0 =	simm.s32 @!p0 $0x4100  }
0x49: {  	[tilespmem:s0], [sflag:$0x9] =	stream.linear.gather @!p0 [hbm4b:s17+s31], $0x80, $0x38;
	[tilespmem:$0x18000] =	vst v63  }
0x4a: {  	s0 =	simm.s32 @!p0 $0x4500  }
0x4b: {  	[tilespmem:s0], [sflag:$0x9] =	stream.linear.gather @!p0 [hbm4b:s16+s31], $0x80, $0x38;
	[tilespmem:$0x18000] =	vst v63  }
0x4c: {  	_ =	swait.ge @!p0 [sflag:s30], $0x300  }
0x4d: {  	[sflag:s30] =	ssyncset.done @!p0 $0x0  }
0x4e: {  	s0 =	rddreg [dreg:$0x7];
	[sflag:s30] =	ssyncadd.s32 @!p0 $0xFFFFFD00  }
0x4f: {  	[hbm4b:s0+s2] =	stream.linear.scatter [tilespmem:s2], [sflag:$0x5], $0x6000, $0x38;
	[tilespmem:$0x18000] =	vst v63  }
0x50: {  	_ =	swait.ge [sflag:s12], $0x6000  }
0x51: {  	[sflag:s12] =	ssyncset.done $0x0  }
0x52: {  	s0 =	rddreg [dreg:$0x8];
	[sflag:s12] =	ssyncadd.s32 $0xFFFFA000  }
0x53: {  	[hbm4b:s0+s2] =	stream.linear.scatter [tilespmem:s8], [sflag:$0x6], $0x6000, $0x38;
	[tilespmem:$0x18000] =	vst v63  }
0x54: {  	_ =	swait.ge [sflag:s11], $0x6000  }
0x55: {  	[sflag:s11] =	ssyncset.done $0x0  }
0x56: {  	s0 =	rddreg [dreg:$0x9];
	[sflag:s11] =	ssyncadd.s32 $0xFFFFA000  }
0x57: {  	[hbm4b:s0+s2] =	stream.linear.scatter [tilespmem:s5], [sflag:$0x7], $0x6000, $0x38;
	[tilespmem:$0x18000] =	vst v63  }
0x58: {  	_ =	swait.ge [sflag:s10], $0x6000  }
0x59: {  	[sflag:s10] =	ssyncset.done $0x0  }
0x5a: {  	s9 =	simm.s32 $0x5;
	s0 =	rddreg [dreg:$0xa];
	[sflag:s10] =	ssyncadd.s32 $0xFFFFA000  }
0x5b: {  	[hbm4b:s0+s2] =	stream.linear.scatter [tilespmem:s3], [sflag:$0x8], $0x6000, $0x38;
	[tilespmem:$0x18000] =	vst v63  }
0x5c: {  	_ =	swait.ge [sflag:s9], $0x6000  }
0x5d: {  	[sflag:s9] =	ssyncset.done $0x0  }
0x5e: {  	s7 =	simm.s32 $0x6;
	[sflag:s9] =	ssyncadd.s32 $0xFFFFA000  }
0x5f: {  	_ =	swait.ge [sflag:s7], $0x6000  }
0x60: {  	s1 =	sadd.s32 $0xFFFFFFFF, s1;
	[sflag:s7] =	ssyncset.done $0x0  }
0x61: {  	p2 =	sne.s32 s1, $0x0;
	s6 =	simm.s32 $0x7;
	[sflag:s7] =	ssyncadd.s32 $0xFFFFA000  }
.Ltmp1:
0x62: {  	_ =	swait.ge [sflag:s6], $0x6000;
	(pc) =	sbr.rel @!p2 .LBB2_2-.Ltmp1, $4  }
0x63: {  	[sflag:s6] =	ssyncset.done $0x0  }
0x64: {  	[sflag:s6] =	ssyncadd.s32 $0xFFFFA000  }
0x65: {  	_ =	swait.ge [sflag:s4], $0x6000  }
0x66: {  	p1 =	por $0x1, $0x1;
	s0 =	rddreg [dreg:$0x3];
	[sflag:s4] =	ssyncset.done $0x0  }
.LBB2_3:
0x67: {  	[sflag:s4] =	ssyncadd.s32 $0xFFFFA000  }
0x68: {  	[tilespmem:s2], [sflag:$0x1] =	stream.linear.gather [hbm4b:s0+s2], $0x6000, $0x38;
	[tilespmem:$0x18000] =	vst v63  }
0x69: {  	s6 =	simm.s32 $0x6000;
	s3 =	rddreg [dreg:$0x4]  }
0x6a: {  	[tilespmem:s6], [sflag:$0x2] =	stream.linear.gather [hbm4b:s3+s2], $0x6000, $0x38;
	[tilespmem:$0x18000] =	vst v63  }
0x6b: {  	s8 =	simm.s32 $0xC000;
	s7 =	rddreg [dreg:$0x5]  }
0x6c: {  	[tilespmem:s8], [sflag:$0x3] =	stream.linear.gather [hbm4b:s7+s2], $0x6000, $0x38;
	[tilespmem:$0x18000] =	vst v63  }
0x6d: {  	s5 =	simm.s32 $0x12000;
	s9 =	rddreg [dreg:$0x6]  }
0x6e: {  	[tilespmem:s5], [sflag:$0x4] =	stream.linear.gather [hbm4b:s9+s2], $0x6000, $0x38;
	[tilespmem:$0x18000] =	vst v63  }
0x6f: {  	_ =	swait.ge [sflag:s26], $0x6000  }
0x70: {  	[sflag:s26] =	ssyncset.done $0x0  }
0x71: {  	s3 =	simm.s32 @!p0 $0x3000;
	[sflag:s26] =	ssyncadd.s32 $0xFFFFA000  }
0x72: {  	[tilespmem:s3], [sflag:$0x9] =	stream.linear.gather @!p0 [hbm4b:s15+s31], $0x80, $0x38;
	[tilespmem:$0x18000] =	vst v63  }
0x73: {  	s6 =	simm.s32 @!p0 $0x3400;
	s0 =	rddreg [dreg:$0xb]  }
0x74: {  	[tilespmem:s6], [sflag:$0x9] =	stream.linear.gather @!p0 [hbm4b:s0+s31], $0x80, $0x38;
	[tilespmem:$0x18000] =	vst v63  }
0x75: {  	s7 =	simm.s32 @!p0 $0x3800;
	s3 =	rddreg [dreg:$0xc]  }
0x76: {  	[tilespmem:s7], [sflag:$0x9] =	stream.linear.gather @!p0 [hbm4b:s3+s31], $0x80, $0x38;
	[tilespmem:$0x18000] =	vst v63  }
0x77: {  	s9 =	simm.s32 @!p0 $0x3C00;
	s0 =	rddreg [dreg:$0xd]  }
0x78: {  	[tilespmem:s9], [sflag:$0x9] =	stream.linear.gather @!p0 [hbm4b:s0+s31], $0x80, $0x38;
	[tilespmem:$0x18000] =	vst v63  }
0x79: {  	s0 =	simm.s32 @!p0 $0x4000  }
0x7a: {  	[tilespmem:s0], [sflag:$0x9] =	stream.linear.gather @!p0 [hbm4b:s29+s31], $0x80, $0x38;
	[tilespmem:$0x18000] =	vst v63  }
0x7b: {  	s0 =	simm.s32 @!p0 $0x4400  }
0x7c: {  	[tilespmem:s0], [sflag:$0x9] =	stream.linear.gather @!p0 [hbm4b:s28+s31], $0x80, $0x38;
	[tilespmem:$0x18000] =	vst v63  }
0x7d: {  	_ =	swait.ge @!p0 [sflag:s30], $0x300  }
0x7e: {  	[sflag:s30] =	ssyncset.done @!p0 $0x0  }
0x7f: {  	s0 =	simm.s32 @!p0 $0x3080;
	[sflag:s30] =	ssyncadd.s32 @!p0 $0xFFFFFD00  }
0x80: {  	[tilespmem:s0], [sflag:$0x9] =	stream.linear.gather @!p0 [hbm4b:s14+s31], $0x80, $0x38;
	[tilespmem:$0x18000] =	vst v63  }
0x81: {  	s0 =	simm.s32 @!p0 $0x3480  }
0x82: {  	[tilespmem:s0], [sflag:$0x9] =	stream.linear.gather @!p0 [hbm4b:s25+s31], $0x80, $0x38;
	[tilespmem:$0x18000] =	vst v63  }
0x83: {  	s0 =	simm.s32 @!p0 $0x3880  }
0x84: {  	[tilespmem:s0], [sflag:$0x9] =	stream.linear.gather @!p0 [hbm4b:s24+s31], $0x80, $0x38;
	[tilespmem:$0x18000] =	vst v63  }
0x85: {  	s0 =	simm.s32 @!p0 $0x3C80  }
0x86: {  	[tilespmem:s0], [sflag:$0x9] =	stream.linear.gather @!p0 [hbm4b:s23+s31], $0x80, $0x38;
	[tilespmem:$0x18000] =	vst v63  }
0x87: {  	s0 =	simm.s32 @!p0 $0x4080  }
0x88: {  	[tilespmem:s0], [sflag:$0x9] =	stream.linear.gather @!p0 [hbm4b:s22+s31], $0x80, $0x38;
	[tilespmem:$0x18000] =	vst v63  }
0x89: {  	s0 =	simm.s32 @!p0 $0x4480  }
0x8a: {  	[tilespmem:s0], [sflag:$0x9] =	stream.linear.gather @!p0 [hbm4b:s21+s31], $0x80, $0x38;
	[tilespmem:$0x18000] =	vst v63  }
0x8b: {  	_ =	swait.ge @!p0 [sflag:s30], $0x300  }
0x8c: {  	[sflag:s30] =	ssyncset.done @!p0 $0x0  }
0x8d: {  	s0 =	simm.s32 @!p0 $0x3100;
	[sflag:s30] =	ssyncadd.s32 @!p0 $0xFFFFFD00  }
0x8e: {  	[tilespmem:s0], [sflag:$0x9] =	stream.linear.gather @!p0 [hbm4b:s13+s31], $0x80, $0x38;
	[tilespmem:$0x18000] =	vst v63  }
0x8f: {  	s0 =	simm.s32 @!p0 $0x3500  }
0x90: {  	[tilespmem:s0], [sflag:$0x9] =	stream.linear.gather @!p0 [hbm4b:s20+s31], $0x80, $0x38;
	[tilespmem:$0x18000] =	vst v63  }
0x91: {  	s0 =	simm.s32 @!p0 $0x3900  }
0x92: {  	[tilespmem:s0], [sflag:$0x9] =	stream.linear.gather @!p0 [hbm4b:s19+s31], $0x80, $0x38;
	[tilespmem:$0x18000] =	vst v63  }
0x93: {  	s0 =	simm.s32 @!p0 $0x3D00  }
0x94: {  	[tilespmem:s0], [sflag:$0x9] =	stream.linear.gather @!p0 [hbm4b:s18+s31], $0x80, $0x38;
	[tilespmem:$0x18000] =	vst v63  }
0x95: {  	s0 =	simm.s32 @!p0 $0x4100  }
0x96: {  	[tilespmem:s0], [sflag:$0x9] =	stream.linear.gather @!p0 [hbm4b:s17+s31], $0x80, $0x38;
	[tilespmem:$0x18000] =	vst v63  }
0x97: {  	s0 =	simm.s32 @!p0 $0x4500  }
0x98: {  	[tilespmem:s0], [sflag:$0x9] =	stream.linear.gather @!p0 [hbm4b:s16+s31], $0x80, $0x38;
	[tilespmem:$0x18000] =	vst v63  }
0x99: {  	_ =	swait.ge @!p0 [sflag:s30], $0x300  }
0x9a: {  	[sflag:s30] =	ssyncset.done @!p0 $0x0  }
0x9b: {  	s0 =	rddreg [dreg:$0x7];
	[sflag:s30] =	ssyncadd.s32 @!p0 $0xFFFFFD00  }
0x9c: {  	[hbm4b:s0+s2] =	stream.linear.scatter [tilespmem:s2], [sflag:$0x5], $0x6000, $0x38;
	[tilespmem:$0x18000] =	vst v63  }
0x9d: {  	_ =	swait.ge [sflag:s12], $0x6000  }
0x9e: {  	[sflag:s12] =	ssyncset.done $0x0  }
0x9f: {  	s8 =	simm.s32 $0x6000;
	s0 =	rddreg [dreg:$0x8];
	[sflag:s12] =	ssyncadd.s32 $0xFFFFA000  }
0xa0: {  	[hbm4b:s0+s2] =	stream.linear.scatter [tilespmem:s8], [sflag:$0x6], $0x6000, $0x38;
	[tilespmem:$0x18000] =	vst v63  }
0xa1: {  	_ =	swait.ge [sflag:s11], $0x6000  }
0xa2: {  	[sflag:s11] =	ssyncset.done $0x0  }
0xa3: {  	s5 =	simm.s32 $0xC000;
	s0 =	rddreg [dreg:$0x9];
	[sflag:s11] =	ssyncadd.s32 $0xFFFFA000  }
0xa4: {  	[hbm4b:s0+s2] =	stream.linear.scatter [tilespmem:s5], [sflag:$0x7], $0x6000, $0x38;
	[tilespmem:$0x18000] =	vst v63  }
0xa5: {  	_ =	swait.ge [sflag:s10], $0x6000  }
0xa6: {  	s3 =	simm.s32 $0x12000;
	[sflag:s10] =	ssyncset.done $0x0  }
0xa7: {  	s9 =	simm.s32 $0x5;
	s0 =	rddreg [dreg:$0xa];
	[sflag:s10] =	ssyncadd.s32 $0xFFFFA000  }
0xa8: {  	[hbm4b:s0+s2] =	stream.linear.scatter [tilespmem:s3], [sflag:$0x8], $0x6000, $0x38;
	[tilespmem:$0x18000] =	vst v63  }
0xa9: {  	_ =	swait.ge [sflag:s9], $0x6000  }
0xaa: {  	[sflag:s9] =	ssyncset.done $0x0  }
0xab: {  	s7 =	simm.s32 $0x6;
	[sflag:s9] =	ssyncadd.s32 $0xFFFFA000  }
0xac: {  	_ =	swait.ge [sflag:s7], $0x6000  }
0xad: {  	s1 =	sadd.s32 $0xFFFFFFFF, s1;
	[sflag:s7] =	ssyncset.done $0x0  }
0xae: {  	p2 =	sne.s32 s1, $0x0;
	s6 =	simm.s32 $0x7;
	[sflag:s7] =	ssyncadd.s32 $0xFFFFA000  }
.Ltmp2:
0xaf: {  	_ =	swait.ge [sflag:s6], $0x6000;
	(pc) =	sbr.rel @p2 .LBB2_3-.Ltmp2, $4  }
0xb0: {  	[sflag:s6] =	ssyncset.done $0x0  }
0xb1: {  	s4 =	simm.s32 $0x8;
	[sflag:s6] =	ssyncadd.s32 $0xFFFFA000  }
0xb2: {  	_ =	swait.ge [sflag:s4], $0x6000  }
0xb3: {  	s0 =	rddreg [dreg:$0x3];
	[sflag:s4] =	ssyncset.done $0x0  }
0xb4: {  	s30 =	stileid.u32;
	s31 =	rddreg [dreg:$0x2]  }
.LBB2_5:
0xb5: {  	[sflag:s4] =	ssyncadd.s32 @p1 $0xFFFFA000  }
0xb6: {  	[tilespmem:s2], [sflag:$0x1] =	stream.linear.gather [hbm4b:s0+s2], $0x6000, $0x38;
	[tilespmem:$0x18000] =	vst v63  }
0xb7: {  	s1 =	rddreg [dreg:$0x4]  }
0xb8: {  	[tilespmem:s8], [sflag:$0x2] =	stream.linear.gather [hbm4b:s1+s2], $0x6000, $0x38;
	[tilespmem:$0x18000] =	vst v63  }
0xb9: {  	s0 =	rddreg [dreg:$0x5]  }
0xba: {  	[tilespmem:s5], [sflag:$0x3] =	stream.linear.gather [hbm4b:s0+s2], $0x6000, $0x38;
	[tilespmem:$0x18000] =	vst v63  }
0xbb: {  	s1 =	rddreg [dreg:$0x6]  }
0xbc: {  	[tilespmem:s3], [sflag:$0x4] =	stream.linear.gather [hbm4b:s1+s2], $0x6000, $0x38;
	[tilespmem:$0x18000] =	vst v63  }
0xbd: {  	_ =	swait.ge [sflag:s26], $0x6000  }
0xbe: {  	[sflag:s26] =	ssyncset.done $0x0  }
0xbf: {  	s0 =	simm.s32 @!p0 $0x3000;
	s1 =	simm.s32 @!p0 $0x0;
	[sflag:s26] =	ssyncadd.s32 $0xFFFFA000  }
0xc0: {  	[tilespmem:s0], [sflag:$0x9] =	stream.linear.gather @!p0 [hbm4b:s15+s1], $0x80, $0x38;
	[tilespmem:$0x18000] =	vst v63  }
0xc1: {  	s3 =	rddreg [dreg:$0xb];
	s0 =	simm.s32 @!p0 $0x3400  }
0xc2: {  	[tilespmem:s0], [sflag:$0x9] =	stream.linear.gather @!p0 [hbm4b:s3+s1], $0x80, $0x38;
	[tilespmem:$0x18000] =	vst v63  }
0xc3: {  	s15 =	rddreg [dreg:$0xc];
	s0 =	simm.s32 @!p0 $0x3800  }
0xc4: {  	[tilespmem:s0], [sflag:$0x9] =	stream.linear.gather @!p0 [hbm4b:s15+s1], $0x80, $0x38;
	[tilespmem:$0x18000] =	vst v63  }
0xc5: {  	s3 =	rddreg [dreg:$0xd];
	s0 =	simm.s32 @!p0 $0x3C00  }
0xc6: {  	[tilespmem:s0], [sflag:$0x9] =	stream.linear.gather @!p0 [hbm4b:s3+s1], $0x80, $0x38;
	[tilespmem:$0x18000] =	vst v63  }
0xc7: {  	s0 =	simm.s32 @!p0 $0x4000  }
0xc8: {  	[tilespmem:s0], [sflag:$0x9] =	stream.linear.gather @!p0 [hbm4b:s29+s1], $0x80, $0x38;
	[tilespmem:$0x18000] =	vst v63  }
0xc9: {  	s0 =	simm.s32 @!p0 $0x4400  }
0xca: {  	[tilespmem:s0], [sflag:$0x9] =	stream.linear.gather @!p0 [hbm4b:s28+s1], $0x80, $0x38;
	[tilespmem:$0x18000] =	vst v63  }
0xcb: {  	s0 =	simm.s32 @!p0 $0x9  }
0xcc: {  	_ =	swait.ge @!p0 [sflag:s0], $0x300  }
0xcd: {  	[sflag:s0] =	ssyncset.done @!p0 $0x0  }
0xce: {  	s3 =	simm.s32 @!p0 $0x3080;
	[sflag:s0] =	ssyncadd.s32 @!p0 $0xFFFFFD00  }
0xcf: {  	[tilespmem:s3], [sflag:$0x9] =	stream.linear.gather @!p0 [hbm4b:s14+s1], $0x80, $0x38;
	[tilespmem:$0x18000] =	vst v63  }
0xd0: {  	s3 =	simm.s32 @!p0 $0x3480  }
0xd1: {  	[tilespmem:s3], [sflag:$0x9] =	stream.linear.gather @!p0 [hbm4b:s25+s1], $0x80, $0x38;
	[tilespmem:$0x18000] =	vst v63  }
0xd2: {  	s3 =	simm.s32 @!p0 $0x3880  }
0xd3: {  	[tilespmem:s3], [sflag:$0x9] =	stream.linear.gather @!p0 [hbm4b:s24+s1], $0x80, $0x38;
	[tilespmem:$0x18000] =	vst v63  }
0xd4: {  	s3 =	simm.s32 @!p0 $0x3C80  }
0xd5: {  	[tilespmem:s3], [sflag:$0x9] =	stream.linear.gather @!p0 [hbm4b:s23+s1], $0x80, $0x38;
	[tilespmem:$0x18000] =	vst v63  }
0xd6: {  	s3 =	simm.s32 @!p0 $0x4080  }
0xd7: {  	[tilespmem:s3], [sflag:$0x9] =	stream.linear.gather @!p0 [hbm4b:s22+s1], $0x80, $0x38;
	[tilespmem:$0x18000] =	vst v63  }
0xd8: {  	s3 =	simm.s32 @!p0 $0x4480  }
0xd9: {  	[tilespmem:s3], [sflag:$0x9] =	stream.linear.gather @!p0 [hbm4b:s21+s1], $0x80, $0x38;
	[tilespmem:$0x18000] =	vst v63  }
0xda: {  	_ =	swait.ge @!p0 [sflag:s0], $0x300  }
0xdb: {  	[sflag:s0] =	ssyncset.done @!p0 $0x0  }
0xdc: {  	s3 =	simm.s32 @!p0 $0x3100;
	[sflag:s0] =	ssyncadd.s32 @!p0 $0xFFFFFD00  }
0xdd: {  	[tilespmem:s3], [sflag:$0x9] =	stream.linear.gather @!p0 [hbm4b:s13+s1], $0x80, $0x38;
	[tilespmem:$0x18000] =	vst v63  }
0xde: {  	s3 =	simm.s32 @!p0 $0x3500  }
0xdf: {  	[tilespmem:s3], [sflag:$0x9] =	stream.linear.gather @!p0 [hbm4b:s20+s1], $0x80, $0x38;
	[tilespmem:$0x18000] =	vst v63  }
0xe0: {  	s3 =	simm.s32 @!p0 $0x3900  }
0xe1: {  	[tilespmem:s3], [sflag:$0x9] =	stream.linear.gather @!p0 [hbm4b:s19+s1], $0x80, $0x38;
	[tilespmem:$0x18000] =	vst v63  }
0xe2: {  	s3 =	simm.s32 @!p0 $0x3D00  }
0xe3: {  	[tilespmem:s3], [sflag:$0x9] =	stream.linear.gather @!p0 [hbm4b:s18+s1], $0x80, $0x38;
	[tilespmem:$0x18000] =	vst v63  }
0xe4: {  	s3 =	simm.s32 @!p0 $0x4100  }
0xe5: {  	[tilespmem:s3], [sflag:$0x9] =	stream.linear.gather @!p0 [hbm4b:s17+s1], $0x80, $0x38;
	[tilespmem:$0x18000] =	vst v63  }
0xe6: {  	s3 =	simm.s32 @!p0 $0x4500  }
0xe7: {  	[tilespmem:s3], [sflag:$0x9] =	stream.linear.gather @!p0 [hbm4b:s16+s1], $0x80, $0x38;
	[tilespmem:$0x18000] =	vst v63  }
0xe8: {  	_ =	swait.ge @!p0 [sflag:s0], $0x300  }
0xe9: {  	[sflag:s0] =	ssyncset.done @!p0 $0x0  }
0xea: {  	s24 =	rddreg [dreg:$0x7];
	[sflag:s0] =	ssyncadd.s32 @!p0 $0xFFFFFD00  }
0xeb: {  	[hbm4b:s24+s2] =	stream.linear.scatter [tilespmem:s2], [sflag:$0x5], $0x6000, $0x38;
	[tilespmem:$0x18000] =	vst v63  }
0xec: {  	_ =	swait.ge [sflag:s12], $0x6000  }
0xed: {  	[sflag:s12] =	ssyncset.done $0x0  }
0xee: {  	s25 =	rddreg [dreg:$0x8];
	[sflag:s12] =	ssyncadd.s32 $0xFFFFA000  }
0xef: {  	[hbm4b:s25+s2] =	stream.linear.scatter [tilespmem:s8], [sflag:$0x6], $0x6000, $0x38;
	[tilespmem:$0x18000] =	vst v63  }
0xf0: {  	_ =	swait.ge [sflag:s11], $0x6000  }
0xf1: {  	[sflag:s11] =	ssyncset.done $0x0  }
0xf2: {  	s28 =	rddreg [dreg:$0x9];
	[sflag:s11] =	ssyncadd.s32 $0xFFFFA000  }
0xf3: {  	[hbm4b:s28+s2] =	stream.linear.scatter [tilespmem:s5], [sflag:$0x7], $0x6000, $0x38;
	[tilespmem:$0x18000] =	vst v63  }
0xf4: {  	_ =	swait.ge [sflag:s10], $0x6000  }
0xf5: {  	[sflag:s10] =	ssyncset.done $0x0  }
0xf6: {  	s26 =	simm.s32 $0x12000;
	s29 =	rddreg [dreg:$0xa];
	[sflag:s10] =	ssyncadd.s32 $0xFFFFA000  }
0xf7: {  	[hbm4b:s29+s2] =	stream.linear.scatter [tilespmem:s26], [sflag:$0x8], $0x6000, $0x38;
	[tilespmem:$0x18000] =	vst v63  }
0xf8: {  	_ =	swait.ge [sflag:s9], $0x6000  }
0xf9: {  	[sflag:s9] =	ssyncset.done $0x0  }
0xfa: {  	[sflag:s9] =	ssyncadd.s32 $0xFFFFA000  }
0xfb: {  	_ =	swait.ge [sflag:s7], $0x6000  }
0xfc: {  	[sflag:s7] =	ssyncset.done $0x0  }
0xfd: {  	[sflag:s7] =	ssyncadd.s32 $0xFFFFA000  }
0xfe: {  	_ =	swait.ge [sflag:s6], $0x6000  }
0xff: {  	[sflag:s6] =	ssyncset.done $0x0  }
0x100: {  	[sflag:s6] =	ssyncadd.s32 $0xFFFFA000  }
0x101: {  	_ =	swait.ge [sflag:s4], $0x6000  }
0x102: {  	[sflag:s4] =	ssyncset.done $0x0  }
0x103: {  	[sflag:s4] =	ssyncadd.s32 $0xFFFFA000  }
0x104: {  	_ =	sfence.sel $0x180000  }
0x105: {  	[bflag:$0x0] =	sbarrier.arrive $0xFFFF  }
0x106: {  	p0 =	sne.s32 s30, $0x0;
	_ =	strace $0x90000047  }
0x107: {  	s0 =	sadd.s32 @!p0 $0x100000, s31;
	[bflag:$0x2] =	sbarrier.arrive $0xFFFF  }
0x108: {  	[sflag:s0] =	ssyncadd.tile.s32 @!p0 $0x1;
	_ =	shalt  }
.LBB2_2:
.Ltmp3:
0x109: {  	(pc) =	sbr.rel .LBB2_5-.Ltmp3, $2  }
0x10a: {  	_ =	sdelay $0x2  }
0x10b: {  	s30 =	stileid.u32;
	s31 =	rddreg [dreg:$0x2]  }
.Lfunc_end2:
_tile_overlayer_lowered:
.L_overlay_start_2:
0x10c: {  	(tag) =	ssettag $0x2  }
0x10d: {  	s0 =	rddreg [dreg:$0x0];
	s2 =	stileid.u32  }
0x10e: {  	s1 =	rddreg [dreg:$0x1];
	p0 =	sne.s32 s2, $0x0  }
0x10f: {  	s3 =	rddreg [dreg:$0x2];
	[bflag:$0x3] =	sbarrier.arrive $0xFFFF;
	s2 =	simm.s32 @!p0 $0x1C09  }
0x110: {  	[timem:s3], [sflag:s2] =	dma.local @!p0 [hbm:s0], s1  }
0x111: {  	s0 =	simm.s32 @!p0 $0x9  }
0x112: {  	_ =	swait.ge @!p0 [sflag:s0], s1  }
0x113: {  	s1 =	ssub.s32 @!p0 $0x0, s1;
	[sflag:s0] =	ssyncset.done @!p0 $0x0  }
0x114: {  	[sflag:s0] =	ssyncadd.s32 @!p0 s1  }
0x115: {  	[bflag:$0x3] =	sbarrier.arrive $0xFFFF  }
0x116: {  	_ =	shalt  }

</sc_bundles>
